<compile_context>
chip_gen: v7x
topology: tpu7x:2x2x1
jax: 0.10.2.dev20260603
libtpu: 0.0.44.dev20260713+nightly
codegen_flags: <defaults>
</compile_context>

<pallas_src>
import jax
import jax.numpy as jnp
from jax import lax
from jax.experimental import pallas as pl
from jax.experimental.pallas import tpu as pltpu
from jax.experimental.pallas import tpu_sc as plsc

VOCAB = 1000000
EMB = 64
PAIR = 128
B = 1024
S = 200
EPS = 1e-6

N = B * S
NC, NS, L = 2, 16, 16
NW = NC * NS
PER_W = N // NW
CHUNK = 128
NCHUNK = PER_W // CHUNK
NCHUNK_PAD = 56
NBUF = 4

BLK = 2048


def _sc_gather_body(table_hbm, idx_hbm, out_hbm, idx_v, buf_v, gsem, osem):
    wid = lax.axis_index("s") * NC + lax.axis_index("c")
    pltpu.sync_copy(idx_hbm.at[wid], idx_v)

    def issue_gather(c):
        sl = c & (NBUF - 1)
        pltpu.async_copy(table_hbm.at[idx_v.at[c]], buf_v.at[sl], gsem.at[sl])

    def prologue(c, carry):
        issue_gather(c)
        return carry

    lax.fori_loop(0, NBUF - 1, prologue, 0)

    def chunk_body(g, carry):
        slot = g & (NBUF - 1)
        nxt = g + NBUF - 1

        @pl.when(nxt < NCHUNK)
        def _():
            @pl.when(g >= 1)
            def _():
                pltpu.make_async_copy(
                    buf_v.at[nxt & (NBUF - 1)],
                    out_hbm.at[pl.ds(0, CHUNK)],
                    osem.at[nxt & (NBUF - 1)]).wait()
            issue_gather(nxt)

        pltpu.make_async_copy(table_hbm.at[idx_v.at[g]], buf_v.at[slot],
                              gsem.at[slot]).wait()
        pltpu.async_copy(buf_v.at[slot],
                         out_hbm.at[pl.ds(wid * PER_W + g * CHUNK, CHUNK)],
                         osem.at[slot])
        return carry

    lax.fori_loop(0, NCHUNK, chunk_body, 0)

    for last in range(NCHUNK - NBUF + 1, NCHUNK):
        pltpu.make_async_copy(
            buf_v.at[last & (NBUF - 1)],
            out_hbm.at[pl.ds(wid * PER_W + last * CHUNK, CHUNK)],
            osem.at[last & (NBUF - 1)]).wait()


def _tc_ln_body(x_ref, gam_ref, bet_ref, o_ref):
    y = x_ref[:, pl.ds(0, EMB)]
    mu = jnp.mean(y, axis=-1, keepdims=True)
    d = y - mu
    var = jnp.mean(d * d, axis=-1, keepdims=True)
    o_ref[...] = gam_ref[...] * d * lax.rsqrt(var + EPS) + bet_ref[...]


@jax.jit
def _embed_ln(table_pad, idx3d, gamma, beta):
    mesh = plsc.VectorSubcoreMesh(core_axis_name="c", subcore_axis_name="s")
    gathered = pl.kernel(
        _sc_gather_body,
        out_type=jax.ShapeDtypeStruct((N, PAIR), jnp.float32),
        mesh=mesh,
        compiler_params=pltpu.CompilerParams(
            needs_layout_passes=False, use_tc_tiling_on_sc=True),
        scratch_types=[
            pltpu.VMEM((NCHUNK_PAD, CHUNK), jnp.int32),
            pltpu.VMEM((NBUF, CHUNK, PAIR), jnp.float32),
            pltpu.SemaphoreType.DMA((NBUF,)),
            pltpu.SemaphoreType.DMA((NBUF,)),
        ],
    )(table_pad, idx3d)

    out = pl.pallas_call(
        _tc_ln_body,
        out_shape=jax.ShapeDtypeStruct((N, EMB), jnp.float32),
        grid=(N // BLK,),
        in_specs=[
            pl.BlockSpec((BLK, PAIR), lambda i: (i, 0)),
            pl.BlockSpec((1, EMB), lambda i: (0, 0)),
            pl.BlockSpec((1, EMB), lambda i: (0, 0)),
        ],
        out_specs=pl.BlockSpec((BLK, EMB), lambda i: (i, 0)),
    )(gathered, gamma.reshape(1, EMB), beta.reshape(1, EMB))
    return out


def kernel(src, seg, table, gamma, beta):
    del seg
    table_pad = jnp.pad(table, ((0, 0), (0, PAIR - EMB)))
    idx3d = src.astype(jnp.int32).reshape(NW, NCHUNK, CHUNK)
    idx3d = jnp.pad(idx3d, ((0, 0), (0, NCHUNK_PAD - NCHUNK), (0, 0)))
    out = _embed_ln(table_pad, idx3d, gamma, beta)
    return out.reshape(B, S, EMB)

# --- scband reference (transcript-rebuilt; emitter-appended) ---
"""Pipeline reference for scband-word-embedding-816043786782 (READ-ONLY COPY).

The authoritative reference and input builder live on the scoring server;
editing this copy changes nothing except your own understanding.
"""

import jax, jax.numpy as jnp
import numpy as np

VOCAB = 1000000
EMB = 64
B = 1024
S = 200
EPS = 1e-6


def setup_inputs(seed: int = 0) -> dict:
    key = jax.random.key(seed)
    k1, k2 = jax.random.split(key, 2)
    src = jax.random.randint(k1, (B, S), 0, VOCAB)
    seg = jnp.zeros((B, S), dtype=jnp.int32)
    table = jax.random.normal(k2, (VOCAB, EMB), dtype=jnp.float32) * 0.02
    gamma = jnp.ones((EMB,), dtype=jnp.float32)
    beta = jnp.zeros((EMB,), dtype=jnp.float32)
    return {"src": src, "seg": seg, "table": table, "gamma": gamma, "beta": beta}


def reference(src, seg, table, gamma, beta):
    # embedding lookup
    emb = jnp.take(table, src, axis=0)  # [B, S, EMB]
    # layer norm over last dim (UER-style LayerNorm)
    mean = jnp.mean(emb, axis=-1, keepdims=True)
    var = jnp.mean((emb - mean) ** 2, axis=-1, keepdims=True)
    emb = gamma * (emb - mean) / jnp.sqrt(var + EPS) + beta
    # dropout with p=0.0 is identity in eval/reference
    return emb

if __name__ == "__main__":
    import jax
    _d = setup_inputs()
    print(jax.jit(kernel)(*tuple(_d.values())))

</pallas_src>

<mosaic_0001>
#map = affine_map<(d0, d1) -> (0, 0)>
#map1 = affine_map<(d0, d1) -> (0, 0, 0)>
module attributes {stable_mosaic.version = 14 : i64} {
  func.func @_sc_gather_body(%arg0: i32, %arg1: i32, %arg2: memref<1000000x128xf32, #tpu.memory_space<hbm>>, %arg3: memref<32x56x128xi32, #tpu.memory_space<hbm>>, %arg4: memref<204800x128xf32, #tpu.memory_space<hbm>>, %arg5: memref<56x128xi32, #tpu.memory_space<vmem>>, %arg6: memref<4x128x128xf32, #tpu.memory_space<vmem>>, %arg7: memref<4x!tpu.dma_semaphore, #tpu.memory_space<semaphore_mem>>, %arg8: memref<4x!tpu.dma_semaphore, #tpu.memory_space<semaphore_mem>>) attributes {dimension_semantics = [#tpu.dimension_semantics<core_parallel>, #tpu.dimension_semantics<subcore_parallel>], iteration_bounds = array<i64: 2, 16>, scalar_prefetch = 0 : i64, scratch_operands = 4 : i64, tpu.core_type = #tpu.core_type<sc_vector_subcore>, window_params = [{transform_indices = #map}, {transform_indices = #map1}, {transform_indices = #map}]} {
    %mul3A = arith.constant 2 : i32
    %mul3A_0 = arith.muli %arg1, %mul3A : i32
    %add3A = arith.addi %mul3A_0, %arg0 : i32
    "tpu.region"() ({
      %run_scoped3A = tpu.sem_alloc : memref<!tpu.dma_semaphore, #tpu.memory_space<semaphore_mem>>
      %dma_start3A = arith.constant 0 : i32
      %dma_start3A_71 = arith.constant 0 : i32
      %dma_start3A_72 = tpu.memref_slice %arg3[%add3A, %dma_start3A, %dma_start3A_71] : memref<32x56x128xi32, #tpu.memory_space<hbm>> -> memref<1x56x128xi32, #tpu.memory_space<hbm>>
      %dma_start3A_73 = tpu.memref_squeeze %dma_start3A_72 : memref<1x56x128xi32, #tpu.memory_space<hbm>> -> memref<56x128xi32, #tpu.memory_space<hbm>>
      %dma_start3A_74 = arith.constant 0 : i32
      %dma_start3A_75 = arith.constant 0 : i32
      %dma_start3A_76 = tpu.memref_slice %arg3[%add3A, %dma_start3A_74, %dma_start3A_75] : memref<32x56x128xi32, #tpu.memory_space<hbm>> -> memref<1x56x128xi32, #tpu.memory_space<hbm>>
      %dma_start3A_77 = tpu.memref_squeeze %dma_start3A_76 : memref<1x56x128xi32, #tpu.memory_space<hbm>> -> memref<56x128xi32, #tpu.memory_space<hbm>>
      tpu.enqueue_dma source(%dma_start3A_77 : memref<56x128xi32, #tpu.memory_space<hbm>>) target(%arg5 : memref<56x128xi32, #tpu.memory_space<vmem>>) target_semaphore(%run_scoped3A : memref<!tpu.dma_semaphore, #tpu.memory_space<semaphore_mem>>)
      %dma_wait3A_78 = arith.constant 0 : i32
      %dma_wait3A_79 = arith.constant 0 : i32
      %dma_wait3A_80 = tpu.memref_slice %arg3[%add3A, %dma_wait3A_78, %dma_wait3A_79] : memref<32x56x128xi32, #tpu.memory_space<hbm>> -> memref<1x56x128xi32, #tpu.memory_space<hbm>>
      %dma_wait3A_81 = tpu.memref_squeeze %dma_wait3A_80 : memref<1x56x128xi32, #tpu.memory_space<hbm>> -> memref<56x128xi32, #tpu.memory_space<hbm>>
      %dma_wait3A_82 = arith.constant 0 : i32
      %dma_wait3A_83 = arith.constant 0 : i32
      %dma_wait3A_84 = tpu.memref_slice %arg3[%add3A, %dma_wait3A_82, %dma_wait3A_83] : memref<32x56x128xi32, #tpu.memory_space<hbm>> -> memref<1x56x128xi32, #tpu.memory_space<hbm>>
      %dma_wait3A_85 = tpu.memref_squeeze %dma_wait3A_84 : memref<1x56x128xi32, #tpu.memory_space<hbm>> -> memref<56x128xi32, #tpu.memory_space<hbm>>
      tpu.wait_dma2 semaphore(%run_scoped3A : memref<!tpu.dma_semaphore, #tpu.memory_space<semaphore_mem>>) src(%dma_wait3A_85 : memref<56x128xi32, #tpu.memory_space<hbm>>) dst(%arg5 : memref<56x128xi32, #tpu.memory_space<vmem>>)
      tpu.yield
    }) : () -> ()
    %scan3A = arith.constant 0 : i32
    %scan3A_1 = arith.constant 0 : i32
    %scan3A_2 = arith.constant 3 : i32
    %scan3A_3 = arith.addi %scan3A_1, %scan3A_2 : i32
    %scan3A_4 = arith.constant 1 : i32
    scf.for %scan3A_71 = %scan3A_1 to %scan3A_3 step %scan3A_4  : i32 {
      %and3A = arith.constant 3 : i32
      %and3A_72 = arith.andi %scan3A_71, %and3A : i32
      %dma_start3A = arith.constant 0 : i32
      %dma_start3A_73 = arith.constant 0 : i32
      %dma_start3A_74 = tpu.memref_slice %arg6[%and3A_72, %dma_start3A, %dma_start3A_73] : memref<4x128x128xf32, #tpu.memory_space<vmem>> -> memref<1x128x128xf32, #tpu.memory_space<vmem>>
      %dma_start3A_75 = tpu.memref_squeeze %dma_start3A_74 : memref<1x128x128xf32, #tpu.memory_space<vmem>> -> memref<128x128xf32, #tpu.memory_space<vmem>>
      %dma_start3A_76 = arith.constant 0 : i32
      %dma_start3A_77 = tpu.memref_slice %arg5[%scan3A_71, %dma_start3A_76] : memref<56x128xi32, #tpu.memory_space<vmem>> -> memref<1x128xi32, #tpu.memory_space<vmem>>
      %dma_start3A_78 = tpu.memref_squeeze %dma_start3A_77 : memref<1x128xi32, #tpu.memory_space<vmem>> -> memref<128xi32, #tpu.memory_space<vmem>>
      %dma_start3A_79 = arith.constant 0 : i32
      %dma_start3A_80 = arith.constant 0 : i32
      %dma_start3A_81 = tpu.memref_slice %arg2[%dma_start3A_79, %dma_start3A_80] : memref<1000000x128xf32, #tpu.memory_space<hbm>> -> memref<1000000x128xf32, #tpu.memory_space<hbm>>
      %dma_start3A_82 = tpu.memref_slice %arg7[%and3A_72] : memref<4x!tpu.dma_semaphore, #tpu.memory_space<semaphore_mem>> -> memref<1x!tpu.dma_semaphore, #tpu.memory_space<semaphore_mem>>
      %dma_start3A_83 = tpu.memref_squeeze %dma_start3A_82 : memref<1x!tpu.dma_semaphore, #tpu.memory_space<semaphore_mem>> -> memref<!tpu.dma_semaphore, #tpu.memory_space<semaphore_mem>>
      tpu.enqueue_indirect_dma source(%dma_start3A_81 : memref<1000000x128xf32, #tpu.memory_space<hbm>>) target(%dma_start3A_75 : memref<128x128xf32, #tpu.memory_space<vmem>>) offsets(%dma_start3A_78 : memref<128xi32, #tpu.memory_space<vmem>>) semaphore(%dma_start3A_83 : memref<!tpu.dma_semaphore, #tpu.memory_space<semaphore_mem>>)
    }
    %scan3A_5 = arith.constant 3 : i32
    %scan3A_6 = arith.constant 0 : i32
    %scan3A_7 = arith.constant 0 : i32
    %scan3A_8 = arith.constant 50 : i32
    %scan3A_9 = arith.addi %scan3A_7, %scan3A_8 : i32
    %scan3A_10 = arith.constant 1 : i32
    scf.for %scan3A_71 = %scan3A_7 to %scan3A_9 step %scan3A_10  : i32 {
      %and3A = arith.constant 3 : i32
      %and3A_72 = arith.andi %scan3A_71, %and3A : i32
      %add3A_73 = arith.constant 4 : i32
      %add3A_74 = arith.addi %scan3A_71, %add3A_73 : i32
      %sub3A = arith.constant 1 : i32
      %sub3A_75 = arith.subi %add3A_74, %sub3A : i32
      %lt3A = arith.constant 50 : i32
      %lt3A_76 = arith.cmpi slt, %sub3A_75, %lt3A : i32
      %convert_element_type3A = arith.extui %lt3A_76 : i1 to i32
      %cond3A = arith.constant 0 : i32
      %cond3A_77 = arith.cmpi ne, %convert_element_type3A, %cond3A : i32
      scf.if %cond3A_77 {
        %ge3A = arith.constant 1 : i32
        %ge3A_108 = arith.cmpi sge, %scan3A_71, %ge3A : i32
        %convert_element_type3A_109 = arith.extui %ge3A_108 : i1 to i32
        %cond3A_110 = arith.constant 0 : i32
        %cond3A_111 = arith.cmpi ne, %convert_element_type3A_109, %cond3A_110 : i32
        scf.if %cond3A_111 {
          %and3A_126 = arith.constant 3 : i32
          %and3A_127 = arith.andi %sub3A_75, %and3A_126 : i32
          %and3A_128 = arith.constant 3 : i32
          %and3A_129 = arith.andi %sub3A_75, %and3A_128 : i32
          %dma_wait3A_130 = arith.constant 0 : i32
          %dma_wait3A_131 = arith.constant 0 : i32
          %dma_wait3A_132 = tpu.memref_slice %arg6[%and3A_127, %dma_wait3A_130, %dma_wait3A_131] : memref<4x128x128xf32, #tpu.memory_space<vmem>> -> memref<1x128x128xf32, #tpu.memory_space<vmem>>
          %dma_wait3A_133 = tpu.memref_squeeze %dma_wait3A_132 : memref<1x128x128xf32, #tpu.memory_space<vmem>> -> memref<128x128xf32, #tpu.memory_space<vmem>>
          %dma_wait3A_134 = arith.constant 0 : i32
          %dma_wait3A_135 = arith.constant 0 : i32
          %dma_wait3A_136 = tpu.memref_slice %arg4[%dma_wait3A_134, %dma_wait3A_135] : memref<204800x128xf32, #tpu.memory_space<hbm>> -> memref<128x128xf32, #tpu.memory_space<hbm>>
          %dma_wait3A_137 = tpu.memref_slice %arg8[%and3A_129] : memref<4x!tpu.dma_semaphore, #tpu.memory_space<semaphore_mem>> -> memref<1x!tpu.dma_semaphore, #tpu.memory_space<semaphore_mem>>
          %dma_wait3A_138 = tpu.memref_squeeze %dma_wait3A_137 : memref<1x!tpu.dma_semaphore, #tpu.memory_space<semaphore_mem>> -> memref<!tpu.dma_semaphore, #tpu.memory_space<semaphore_mem>>
          %dma_wait3A_139 = arith.constant 0 : i32
          %dma_wait3A_140 = arith.constant 0 : i32
          %dma_wait3A_141 = tpu.memref_slice %arg4[%dma_wait3A_139, %dma_wait3A_140] : memref<204800x128xf32, #tpu.memory_space<hbm>> -> memref<128x128xf32, #tpu.memory_space<hbm>>
          %dma_wait3A_142 = arith.constant 0 : i32
          %dma_wait3A_143 = arith.constant 0 : i32
          %dma_wait3A_144 = tpu.memref_slice %arg6[%and3A_127, %dma_wait3A_142, %dma_wait3A_143] : memref<4x128x128xf32, #tpu.memory_space<vmem>> -> memref<1x128x128xf32, #tpu.memory_space<vmem>>
          %dma_wait3A_145 = tpu.memref_squeeze %dma_wait3A_144 : memref<1x128x128xf32, #tpu.memory_space<vmem>> -> memref<128x128xf32, #tpu.memory_space<vmem>>
          tpu.wait_dma2 semaphore(%dma_wait3A_138 : memref<!tpu.dma_semaphore, #tpu.memory_space<semaphore_mem>>) src(%dma_wait3A_145 : memref<128x128xf32, #tpu.memory_space<vmem>>) dst(%dma_wait3A_141 : memref<128x128xf32, #tpu.memory_space<hbm>>)
        } else {
        }
        %and3A_112 = arith.constant 3 : i32
        %and3A_113 = arith.andi %sub3A_75, %and3A_112 : i32
        %dma_start3A_114 = arith.constant 0 : i32
        %dma_start3A_115 = arith.constant 0 : i32
        %dma_start3A_116 = tpu.memref_slice %arg6[%and3A_113, %dma_start3A_114, %dma_start3A_115] : memref<4x128x128xf32, #tpu.memory_space<vmem>> -> memref<1x128x128xf32, #tpu.memory_space<vmem>>
        %dma_start3A_117 = tpu.memref_squeeze %dma_start3A_116 : memref<1x128x128xf32, #tpu.memory_space<vmem>> -> memref<128x128xf32, #tpu.memory_space<vmem>>
        %dma_start3A_118 = arith.constant 0 : i32
        %dma_start3A_119 = tpu.memref_slice %arg5[%sub3A_75, %dma_start3A_118] : memref<56x128xi32, #tpu.memory_space<vmem>> -> memref<1x128xi32, #tpu.memory_space<vmem>>
        %dma_start3A_120 = tpu.memref_squeeze %dma_start3A_119 : memref<1x128xi32, #tpu.memory_space<vmem>> -> memref<128xi32, #tpu.memory_space<vmem>>
        %dma_start3A_121 = arith.constant 0 : i32
        %dma_start3A_122 = arith.constant 0 : i32
        %dma_start3A_123 = tpu.memref_slice %arg2[%dma_start3A_121, %dma_start3A_122] : memref<1000000x128xf32, #tpu.memory_space<hbm>> -> memref<1000000x128xf32, #tpu.memory_space<hbm>>
        %dma_start3A_124 = tpu.memref_slice %arg7[%and3A_113] : memref<4x!tpu.dma_semaphore, #tpu.memory_space<semaphore_mem>> -> memref<1x!tpu.dma_semaphore, #tpu.memory_space<semaphore_mem>>
        %dma_start3A_125 = tpu.memref_squeeze %dma_start3A_124 : memref<1x!tpu.dma_semaphore, #tpu.memory_space<semaphore_mem>> -> memref<!tpu.dma_semaphore, #tpu.memory_space<semaphore_mem>>
        tpu.enqueue_indirect_dma source(%dma_start3A_123 : memref<1000000x128xf32, #tpu.memory_space<hbm>>) target(%dma_start3A_117 : memref<128x128xf32, #tpu.memory_space<vmem>>) offsets(%dma_start3A_120 : memref<128xi32, #tpu.memory_space<vmem>>) semaphore(%dma_start3A_125 : memref<!tpu.dma_semaphore, #tpu.memory_space<semaphore_mem>>)
      } else {
      }
      %dma_wait3A_78 = arith.constant 0 : i32
      %dma_wait3A_79 = arith.constant 0 : i32
      %dma_wait3A_80 = tpu.memref_slice %arg6[%and3A_72, %dma_wait3A_78, %dma_wait3A_79] : memref<4x128x128xf32, #tpu.memory_space<vmem>> -> memref<1x128x128xf32, #tpu.memory_space<vmem>>
      %dma_wait3A_81 = tpu.memref_squeeze %dma_wait3A_80 : memref<1x128x128xf32, #tpu.memory_space<vmem>> -> memref<128x128xf32, #tpu.memory_space<vmem>>
      %dma_wait3A_82 = arith.constant 0 : i32
      %dma_wait3A_83 = tpu.memref_slice %arg5[%scan3A_71, %dma_wait3A_82] : memref<56x128xi32, #tpu.memory_space<vmem>> -> memref<1x128xi32, #tpu.memory_space<vmem>>
      %dma_wait3A_84 = tpu.memref_squeeze %dma_wait3A_83 : memref<1x128xi32, #tpu.memory_space<vmem>> -> memref<128xi32, #tpu.memory_space<vmem>>
      %dma_wait3A_85 = arith.constant 0 : i32
      %dma_wait3A_86 = arith.constant 0 : i32
      %dma_wait3A_87 = tpu.memref_slice %arg2[%dma_wait3A_85, %dma_wait3A_86] : memref<1000000x128xf32, #tpu.memory_space<hbm>> -> memref<1000000x128xf32, #tpu.memory_space<hbm>>
      %dma_wait3A_88 = tpu.memref_slice %arg7[%and3A_72] : memref<4x!tpu.dma_semaphore, #tpu.memory_space<semaphore_mem>> -> memref<1x!tpu.dma_semaphore, #tpu.memory_space<semaphore_mem>>
      %dma_wait3A_89 = tpu.memref_squeeze %dma_wait3A_88 : memref<1x!tpu.dma_semaphore, #tpu.memory_space<semaphore_mem>> -> memref<!tpu.dma_semaphore, #tpu.memory_space<semaphore_mem>>
      tpu.wait_indirect_dma semaphore(%dma_wait3A_89 : memref<!tpu.dma_semaphore, #tpu.memory_space<semaphore_mem>>) src(%dma_wait3A_87 : memref<1000000x128xf32, #tpu.memory_space<hbm>>) dst(%dma_wait3A_81 : memref<128x128xf32, #tpu.memory_space<vmem>>)
      %mul3A_90 = arith.constant 6400 : i32
      %mul3A_91 = arith.muli %add3A, %mul3A_90 : i32
      %mul3A_92 = arith.constant 128 : i32
      %mul3A_93 = arith.muli %scan3A_71, %mul3A_92 : i32
      %add3A_94 = arith.addi %mul3A_91, %mul3A_93 : i32
      %dma_start3A = arith.constant 0 : i32
      %dma_start3A_95 = arith.constant 0 : i32
      %dma_start3A_96 = tpu.memref_slice %arg6[%and3A_72, %dma_start3A, %dma_start3A_95] : memref<4x128x128xf32, #tpu.memory_space<vmem>> -> memref<1x128x128xf32, #tpu.memory_space<vmem>>
      %dma_start3A_97 = tpu.memref_squeeze %dma_start3A_96 : memref<1x128x128xf32, #tpu.memory_space<vmem>> -> memref<128x128xf32, #tpu.memory_space<vmem>>
      %dma_start3A_98 = arith.constant 0 : i32
      %dma_start3A_99 = tpu.memref_slice %arg4[%add3A_94, %dma_start3A_98] : memref<204800x128xf32, #tpu.memory_space<hbm>> -> memref<128x128xf32, #tpu.memory_space<hbm>>
      %dma_start3A_100 = tpu.memref_slice %arg8[%and3A_72] : memref<4x!tpu.dma_semaphore, #tpu.memory_space<semaphore_mem>> -> memref<1x!tpu.dma_semaphore, #tpu.memory_space<semaphore_mem>>
      %dma_start3A_101 = tpu.memref_squeeze %dma_start3A_100 : memref<1x!tpu.dma_semaphore, #tpu.memory_space<semaphore_mem>> -> memref<!tpu.dma_semaphore, #tpu.memory_space<semaphore_mem>>
      %dma_start3A_102 = arith.constant 0 : i32
      %dma_start3A_103 = tpu.memref_slice %arg4[%add3A_94, %dma_start3A_102] : memref<204800x128xf32, #tpu.memory_space<hbm>> -> memref<128x128xf32, #tpu.memory_space<hbm>>
      %dma_start3A_104 = arith.constant 0 : i32
      %dma_start3A_105 = arith.constant 0 : i32
      %dma_start3A_106 = tpu.memref_slice %arg6[%and3A_72, %dma_start3A_104, %dma_start3A_105] : memref<4x128x128xf32, #tpu.memory_space<vmem>> -> memref<1x128x128xf32, #tpu.memory_space<vmem>>
      %dma_start3A_107 = tpu.memref_squeeze %dma_start3A_106 : memref<1x128x128xf32, #tpu.memory_space<vmem>> -> memref<128x128xf32, #tpu.memory_space<vmem>>
      tpu.enqueue_dma source(%dma_start3A_107 : memref<128x128xf32, #tpu.memory_space<vmem>>) target(%dma_start3A_103 : memref<128x128xf32, #tpu.memory_space<hbm>>) target_semaphore(%dma_start3A_101 : memref<!tpu.dma_semaphore, #tpu.memory_space<semaphore_mem>>)
    }
    %scan3A_11 = arith.constant 50 : i32
    %mul3A_12 = arith.constant 6400 : i32
    %mul3A_13 = arith.muli %add3A, %mul3A_12 : i32
    %add3A_14 = arith.constant 6016 : i32
    %add3A_15 = arith.addi %mul3A_13, %add3A_14 : i32
    %dma_wait3A = arith.constant 3 : i32
    %dma_wait3A_16 = arith.constant 3 : i32
    %dma_wait3A_17 = arith.constant 0 : i32
    %dma_wait3A_18 = arith.constant 0 : i32
    %dma_wait3A_19 = tpu.memref_slice %arg6[%dma_wait3A, %dma_wait3A_17, %dma_wait3A_18] : memref<4x128x128xf32, #tpu.memory_space<vmem>> -> memref<1x128x128xf32, #tpu.memory_space<vmem>>
    %dma_wait3A_20 = tpu.memref_squeeze %dma_wait3A_19 : memref<1x128x128xf32, #tpu.memory_space<vmem>> -> memref<128x128xf32, #tpu.memory_space<vmem>>
    %dma_wait3A_21 = arith.constant 0 : i32
    %dma_wait3A_22 = tpu.memref_slice %arg4[%add3A_15, %dma_wait3A_21] : memref<204800x128xf32, #tpu.memory_space<hbm>> -> memref<128x128xf32, #tpu.memory_space<hbm>>
    %dma_wait3A_23 = tpu.memref_slice %arg8[%dma_wait3A_16] : memref<4x!tpu.dma_semaphore, #tpu.memory_space<semaphore_mem>> -> memref<1x!tpu.dma_semaphore, #tpu.memory_space<semaphore_mem>>
    %dma_wait3A_24 = tpu.memref_squeeze %dma_wait3A_23 : memref<1x!tpu.dma_semaphore, #tpu.memory_space<semaphore_mem>> -> memref<!tpu.dma_semaphore, #tpu.memory_space<semaphore_mem>>
    %dma_wait3A_25 = arith.constant 0 : i32
    %dma_wait3A_26 = tpu.memref_slice %arg4[%add3A_15, %dma_wait3A_25] : memref<204800x128xf32, #tpu.memory_space<hbm>> -> memref<128x128xf32, #tpu.memory_space<hbm>>
    %dma_wait3A_27 = arith.constant 0 : i32
    %dma_wait3A_28 = arith.constant 0 : i32
    %dma_wait3A_29 = tpu.memref_slice %arg6[%dma_wait3A, %dma_wait3A_27, %dma_wait3A_28] : memref<4x128x128xf32, #tpu.memory_space<vmem>> -> memref<1x128x128xf32, #tpu.memory_space<vmem>>
    %dma_wait3A_30 = tpu.memref_squeeze %dma_wait3A_29 : memref<1x128x128xf32, #tpu.memory_space<vmem>> -> memref<128x128xf32, #tpu.memory_space<vmem>>
    tpu.wait_dma2 semaphore(%dma_wait3A_24 : memref<!tpu.dma_semaphore, #tpu.memory_space<semaphore_mem>>) src(%dma_wait3A_30 : memref<128x128xf32, #tpu.memory_space<vmem>>) dst(%dma_wait3A_26 : memref<128x128xf32, #tpu.memory_space<hbm>>)
    %mul3A_31 = arith.constant 6400 : i32
    %mul3A_32 = arith.muli %add3A, %mul3A_31 : i32
    %add3A_33 = arith.constant 6144 : i32
    %add3A_34 = arith.addi %mul3A_32, %add3A_33 : i32
    %dma_wait3A_35 = arith.constant 0 : i32
    %dma_wait3A_36 = arith.constant 0 : i32
    %dma_wait3A_37 = arith.constant 0 : i32
    %dma_wait3A_38 = arith.constant 0 : i32
    %dma_wait3A_39 = tpu.memref_slice %arg6[%dma_wait3A_35, %dma_wait3A_37, %dma_wait3A_38] : memref<4x128x128xf32, #tpu.memory_space<vmem>> -> memref<1x128x128xf32, #tpu.memory_space<vmem>>
    %dma_wait3A_40 = tpu.memref_squeeze %dma_wait3A_39 : memref<1x128x128xf32, #tpu.memory_space<vmem>> -> memref<128x128xf32, #tpu.memory_space<vmem>>
    %dma_wait3A_41 = arith.constant 0 : i32
    %dma_wait3A_42 = tpu.memref_slice %arg4[%add3A_34, %dma_wait3A_41] : memref<204800x128xf32, #tpu.memory_space<hbm>> -> memref<128x128xf32, #tpu.memory_space<hbm>>
    %dma_wait3A_43 = tpu.memref_slice %arg8[%dma_wait3A_36] : memref<4x!tpu.dma_semaphore, #tpu.memory_space<semaphore_mem>> -> memref<1x!tpu.dma_semaphore, #tpu.memory_space<semaphore_mem>>
    %dma_wait3A_44 = tpu.memref_squeeze %dma_wait3A_43 : memref<1x!tpu.dma_semaphore, #tpu.memory_space<semaphore_mem>> -> memref<!tpu.dma_semaphore, #tpu.memory_space<semaphore_mem>>
    %dma_wait3A_45 = arith.constant 0 : i32
    %dma_wait3A_46 = tpu.memref_slice %arg4[%add3A_34, %dma_wait3A_45] : memref<204800x128xf32, #tpu.memory_space<hbm>> -> memref<128x128xf32, #tpu.memory_space<hbm>>
    %dma_wait3A_47 = arith.constant 0 : i32
    %dma_wait3A_48 = arith.constant 0 : i32
    %dma_wait3A_49 = tpu.memref_slice %arg6[%dma_wait3A_35, %dma_wait3A_47, %dma_wait3A_48] : memref<4x128x128xf32, #tpu.memory_space<vmem>> -> memref<1x128x128xf32, #tpu.memory_space<vmem>>
    %dma_wait3A_50 = tpu.memref_squeeze %dma_wait3A_49 : memref<1x128x128xf32, #tpu.memory_space<vmem>> -> memref<128x128xf32, #tpu.memory_space<vmem>>
    tpu.wait_dma2 semaphore(%dma_wait3A_44 : memref<!tpu.dma_semaphore, #tpu.memory_space<semaphore_mem>>) src(%dma_wait3A_50 : memref<128x128xf32, #tpu.memory_space<vmem>>) dst(%dma_wait3A_46 : memref<128x128xf32, #tpu.memory_space<hbm>>)
    %mul3A_51 = arith.constant 6400 : i32
    %mul3A_52 = arith.muli %add3A, %mul3A_51 : i32
    %add3A_53 = arith.constant 6272 : i32
    %add3A_54 = arith.addi %mul3A_52, %add3A_53 : i32
    %dma_wait3A_55 = arith.constant 1 : i32
    %dma_wait3A_56 = arith.constant 1 : i32
    %dma_wait3A_57 = arith.constant 0 : i32
    %dma_wait3A_58 = arith.constant 0 : i32
    %dma_wait3A_59 = tpu.memref_slice %arg6[%dma_wait3A_55, %dma_wait3A_57, %dma_wait3A_58] : memref<4x128x128xf32, #tpu.memory_space<vmem>> -> memref<1x128x128xf32, #tpu.memory_space<vmem>>
    %dma_wait3A_60 = tpu.memref_squeeze %dma_wait3A_59 : memref<1x128x128xf32, #tpu.memory_space<vmem>> -> memref<128x128xf32, #tpu.memory_space<vmem>>
    %dma_wait3A_61 = arith.constant 0 : i32
    %dma_wait3A_62 = tpu.memref_slice %arg4[%add3A_54, %dma_wait3A_61] : memref<204800x128xf32, #tpu.memory_space<hbm>> -> memref<128x128xf32, #tpu.memory_space<hbm>>
    %dma_wait3A_63 = tpu.memref_slice %arg8[%dma_wait3A_56] : memref<4x!tpu.dma_semaphore, #tpu.memory_space<semaphore_mem>> -> memref<1x!tpu.dma_semaphore, #tpu.memory_space<semaphore_mem>>
    %dma_wait3A_64 = tpu.memref_squeeze %dma_wait3A_63 : memref<1x!tpu.dma_semaphore, #tpu.memory_space<semaphore_mem>> -> memref<!tpu.dma_semaphore, #tpu.memory_space<semaphore_mem>>
    %dma_wait3A_65 = arith.constant 0 : i32
    %dma_wait3A_66 = tpu.memref_slice %arg4[%add3A_54, %dma_wait3A_65] : memref<204800x128xf32, #tpu.memory_space<hbm>> -> memref<128x128xf32, #tpu.memory_space<hbm>>
    %dma_wait3A_67 = arith.constant 0 : i32
    %dma_wait3A_68 = arith.constant 0 : i32
    %dma_wait3A_69 = tpu.memref_slice %arg6[%dma_wait3A_55, %dma_wait3A_67, %dma_wait3A_68] : memref<4x128x128xf32, #tpu.memory_space<vmem>> -> memref<1x128x128xf32, #tpu.memory_space<vmem>>
    %dma_wait3A_70 = tpu.memref_squeeze %dma_wait3A_69 : memref<1x128x128xf32, #tpu.memory_space<vmem>> -> memref<128x128xf32, #tpu.memory_space<vmem>>
    tpu.wait_dma2 semaphore(%dma_wait3A_64 : memref<!tpu.dma_semaphore, #tpu.memory_space<semaphore_mem>>) src(%dma_wait3A_70 : memref<128x128xf32, #tpu.memory_space<vmem>>) dst(%dma_wait3A_66 : memref<128x128xf32, #tpu.memory_space<hbm>>)
    return
  }
}

module attributes {stable_mosaic.version = 14 : i64} {
  func.func @_tc_ln_body(%arg0: i32, %arg1: memref<2048x128xf32, #tpu.memory_space<vmem>>, %arg2: memref<1x64xf32, #tpu.memory_space<vmem>>, %arg3: memref<1x64xf32, #tpu.memory_space<vmem>>, %arg4: memref<2048x64xf32, #tpu.memory_space<vmem>>) attributes {dimension_semantics = [#tpu.dimension_semantics<arbitrary>], iteration_bounds = array<i64: 100>, scalar_prefetch = 0 : i64, scratch_operands = 0 : i64, tpu.core_type = #tpu.core_type<tc>, window_params = [{transform_indices = @transform_0, window_bounds = array<i64: 2048, 128>}, {pipeline_mode = #tpu.pipeline_mode<synchronous>, transform_indices = @transform_1, window_bounds = array<i64: 1, 64>}, {pipeline_mode = #tpu.pipeline_mode<synchronous>, transform_indices = @transform_2, window_bounds = array<i64: 1, 64>}, {transform_indices = @transform_3, window_bounds = array<i64: 2048, 64>}]} {
    %get3A = arith.constant 0 : index
    %get3A_0 = arith.constant 0 : index
    %get3A_1 = vector.load %arg1[%get3A, %get3A_0] : memref<2048x128xf32, #tpu.memory_space<vmem>>, vector<2048x64xf32>
    %reduce_sum3A = arith.constant dense<0.000000e+00> : vector<2048xf32>
    %reduce_sum3A_2 = vector.multi_reduction <add>, %get3A_1, %reduce_sum3A [1] : vector<2048x64xf32> to vector<2048xf32>
    %broadcast_in_dim3A = vector.shape_cast %reduce_sum3A_2 : vector<2048xf32> to vector<2048x1xf32>
    %div3A = arith.constant 6.400000e+01 : f32
    %div3A_3 = vector.broadcast %div3A : f32 to vector<2048x1xf32>
    %div3A_4 = arith.divf %broadcast_in_dim3A, %div3A_3 : vector<2048x1xf32>
    %sub3A = vector.broadcast %div3A_4 : vector<2048x1xf32> to vector<2048x64xf32>
    %sub3A_5 = arith.subf %get3A_1, %sub3A : vector<2048x64xf32>
    %mul3A = arith.mulf %sub3A_5, %sub3A_5 : vector<2048x64xf32>
    %reduce_sum3A_6 = arith.constant dense<0.000000e+00> : vector<2048xf32>
    %reduce_sum3A_7 = vector.multi_reduction <add>, %mul3A, %reduce_sum3A_6 [1] : vector<2048x64xf32> to vector<2048xf32>
    %broadcast_in_dim3A_8 = vector.shape_cast %reduce_sum3A_7 : vector<2048xf32> to vector<2048x1xf32>
    %div3A_9 = arith.constant 6.400000e+01 : f32
    %div3A_10 = vector.broadcast %div3A_9 : f32 to vector<2048x1xf32>
    %div3A_11 = arith.divf %broadcast_in_dim3A_8, %div3A_10 : vector<2048x1xf32>
    %get3A_12 = arith.constant 0 : index
    %get3A_13 = arith.constant 0 : index
    %get3A_14 = vector.load %arg2[%get3A_12, %get3A_13] : memref<1x64xf32, #tpu.memory_space<vmem>>, vector<1x64xf32>
    %mul3A_15 = vector.broadcast %get3A_14 : vector<1x64xf32> to vector<2048x64xf32>
    %mul3A_16 = arith.mulf %mul3A_15, %sub3A_5 : vector<2048x64xf32>
    %add3A = arith.constant 9.99999997E-7 : f32
    %add3A_17 = vector.broadcast %add3A : f32 to vector<2048x1xf32>
    %add3A_18 = arith.addf %div3A_11, %add3A_17 : vector<2048x1xf32>
    %rsqrt3A = math.rsqrt %add3A_18 : vector<2048x1xf32>
    %mul3A_19 = vector.broadcast %rsqrt3A : vector<2048x1xf32> to vector<2048x64xf32>
    %mul3A_20 = arith.mulf %mul3A_16, %mul3A_19 : vector<2048x64xf32>
    %get3A_21 = arith.constant 0 : index
    %get3A_22 = arith.constant 0 : index
    %get3A_23 = vector.load %arg3[%get3A_21, %get3A_22] : memref<1x64xf32, #tpu.memory_space<vmem>>, vector<1x64xf32>
    %add3A_24 = vector.broadcast %get3A_23 : vector<1x64xf32> to vector<2048x64xf32>
    %add3A_25 = arith.addf %mul3A_20, %add3A_24 : vector<2048x64xf32>
    %swap3A = arith.constant 0 : index
    %swap3A_26 = arith.constant 0 : index
    %swap3A_27 = vector.load %arg4[%swap3A, %swap3A_26] : memref<2048x64xf32, #tpu.memory_space<vmem>>, vector<2048x64xf32>
    tpu.vector_store %arg4[%swap3A, %swap3A_26], %add3A_25 {strides = array<i32>} : memref<2048x64xf32, #tpu.memory_space<vmem>>, vector<2048x64xf32>,
    return
  }
  func.func @transform_0(%arg0: i32) -> (i32, i32) {
    %c0_i32 = arith.constant 0 : i32
    %c0_i32_0 = arith.constant 0 : i32
    return %arg0, %c0_i32 : i32, i32
  }
  func.func @transform_1(%arg0: i32) -> (i32, i32) {
    %c0_i32 = arith.constant 0 : i32
    %c0_i32_0 = arith.constant 0 : i32
    %c0_i32_1 = arith.constant 0 : i32
    return %c0_i32, %c0_i32_0 : i32, i32
  }
  func.func @transform_2(%arg0: i32) -> (i32, i32) {
    %c0_i32 = arith.constant 0 : i32
    %c0_i32_0 = arith.constant 0 : i32
    %c0_i32_1 = arith.constant 0 : i32
    return %c0_i32, %c0_i32_0 : i32, i32
  }
  func.func @transform_3(%arg0: i32) -> (i32, i32) {
    %c0_i32 = arith.constant 0 : i32
    %c0_i32_0 = arith.constant 0 : i32
    return %arg0, %c0_i32 : i32, i32
  }
}

</mosaic_0001>

<sc_bundles>
// kernel: _embed_ln.4.cloned.1.call-start
scs
__scs_entry_jumppad:
0x0: {  	(pc) =	sbr.rel $0x88, $3  }
0x1: {  	(tag) =	ssettag $0x0;
	lr =	simm.s32 $0x1  }
0x2: {  	[smem:$0x3F9D] =	sst lr;
	_ =	strace $0xD0000000  }
0x3: {  	_ = 	snop  }
0x4: {  	_ = 	snop  }
0x5: {  	_ = 	snop  }
0x6: {  	_ = 	snop  }
0x7: {  	_ = 	snop  }
__scs_overlays_trampoline_lowered:
0x8: {  	[smem:$0x3FAC] =	sst s0  }
0x9: {  	[smem:$0x3FAD] =	sst s1  }
0xa: {  	[smem:$0x3FAE] =	sst s2  }
0xb: {  	[smem:$0x3FAF] =	sst s3  }
0xc: {  	[smem:$0x3FB0] =	sst s4  }
0xd: {  	[smem:$0x3FB1] =	sst s5  }
0xe: {  	[smem:$0x3FB2] =	sst s6  }
0xf: {  	[smem:$0x3FB3] =	sst s7  }
0x10: {  	[smem:$0x3FB4] =	sst s8  }
0x11: {  	[smem:$0x3FB5] =	sst s9;
	s0 =	simm.s32 @!p0 $0x0  }
0x12: {  	s1 =	sld [smem:$0x3F9B];
	s0 =	simm.s32 @p0 $0x1  }
0x13: {  	[smem:$0x3FB6] =	sst s0;
	s0 =	simm.s32 @!p1 $0x0  }
0x14: {  	s2 =	sld [smem:$0x3F9A];
	s0 =	simm.s32 @p1 $0x1  }
0x15: {  	[smem:$0x3FB7] =	sst s0;
	s0 =	simm.s32 @!p2 $0x0  }
0x16: {  	s3 =	sld [smem:$0x3FDB];
	s0 =	simm.s32 @p2 $0x1  }
0x17: {  	s4 =	simm.s32 $0x1BF5;
	[smem:$0x3FB9] =	sst s0  }
0x18: {  	s0 =	sld [smem:$0x3F9C];
	_ =	swait.ge [sflag:s4], $0x0  }
0x19: {  	s7 =	sld [smem:$0x3F9D]  }
0x1a: {  	s8 =	sadd.s32 $0xFFFFE003, lr  }
0x1b: {  	s9 =	sadd.s32 $0xFFFFFEF7, lr;
	s5 =	simm.s32 $0xFFFFFFFF;
	p2 =	slt.u32 s8, $0xFFFFF086  }
0x1c: {  	p1 =	slt.u32 s9, $0xF7A;
	s5 =	simm.s32 @!p2 $0x0  }
0x1d: {  	s5 =	simm.s32 @p1 $0x1;
	p0 =	seq.s32 s7, s2  }
0x1e: {  	s7 =	smul.u32 @!p0 $0xF7A, s2;
	p2 =	seq.s32 @!p0 s5, $0x0  }
0x1f: {  	s9 =	smul.u32 $0xF7A, s1;
	s8 =	simm.s32 @!p0 $0x1BF5;
	p2 =	por !p2, p0  }
0x20: {  	[sflag:s8] =	ssyncset.s32 @!p0 $0xFFFFF086;
	s6 =	sadd.s32 @!p0 s3, s7;
	s7 =	simm.s32 @!p0 $0x108  }
0x21: {  	s3 =	sadd.s32 s3, s9;
	s6 =	sadd.s32 @!p0 $0x88, s6;
	s7 =	simm.s32 @p2 $0x1082  }
0x22: {  	[simem:s7], [sflag:s8] =	dma.local @!p0 [hbm:s6], $0xF7A  }
0x23: {  	s9 =	sor.u32 $0xD0000000, s2;
	s6 =	simm.s32 $0x108;
	_ =	swait.ge @!p0 [sflag:s8], $0x0  }
0x24: {  	s3 =	sadd.s32 $0x88, s3;
	s6 =	simm.s32 @!p1 $0x1082;
	[sflag:s4] =	ssyncset.s32 $0xFFFFF086  }
0x25: {  	[simem:s6], [sflag:s4] =	dma.local [hbm:s3], $0xF7A  }
0x26: {  	[smem:$0x3F9D] =	sst s1;
	(tag) =	ssettag s2;
	_ =	strace s9  }
0x27: {  	s1 =	sld [smem:$0x3FAD]  }
0x28: {  	s2 =	sld [smem:$0x3FAE]  }
0x29: {  	s4 =	sld [smem:$0x3FB0]  }
0x2a: {  	p0 =	seq.s32 s5, $0x0;
	s5 =	sld [smem:$0x3FB1]  }
0x2b: {  	s6 =	sld [smem:$0x3FB2]  }
0x2c: {  	s7 =	sld [smem:$0x3FB3]  }
0x2d: {  	s3 =	simm.s32 $0x108;
	s8 =	sld [smem:$0x3FB4]  }
0x2e: {  	s3 =	simm.s32 @!p0 $0x1082;
	s9 =	sld [smem:$0x3FB5]  }
0x2f: {  	lr =	sadd.s32 s0, s3;
	s0 =	sld [smem:$0x3FAC]  }
0x30: {  	s3 =	sld [smem:$0x3FAF]  }
0x31: {  	[smem:$0x3FB8] =	sst s10  }
0x32: {  	s10 =	sld [smem:$0x3FB6];
	_ =	sdelay $0x3  }
0x33: {  	p0 =	seq.s32 s10, $0x1;
	s10 =	sld [smem:$0x3FB8];
	_ =	sdelay $0x3  }
0x34: {  	[smem:$0x3FB8] =	sst s10  }
0x35: {  	s10 =	sld [smem:$0x3FB7];
	_ =	sdelay $0x3  }
0x36: {  	p1 =	seq.s32 s10, $0x1;
	s10 =	sld [smem:$0x3FB8];
	_ =	sdelay $0x3  }
0x37: {  	[smem:$0x3FB8] =	sst s10  }
0x38: {  	s10 =	sld [smem:$0x3FB9]  }
0x39: {  	_ = 	snop;
	(pc) =	sbr.ind lr, $3  }
0x3a: {  	_ = 	snop  }
0x3b: {  	_ = 	snop  }
0x3c: {  	p2 =	seq.s32 s10, $0x1;
	s10 =	sld [smem:$0x3FB8]  }
0x3d: {  	_ =	shalt  }
0x3e: {  	_ =	shalt  }
0x3f: {  	_ =	shalt  }
0x40: {  	_ =	shalt  }
0x41: {  	_ =	shalt  }
0x42: {  	_ =	shalt  }
0x43: {  	_ =	shalt  }
0x44: {  	_ =	shalt  }
0x45: {  	_ =	shalt  }
0x46: {  	_ =	shalt  }
0x47: {  	_ =	shalt  }
0x48: {  	_ =	shalt  }
0x49: {  	_ =	shalt  }
0x4a: {  	_ =	shalt  }
0x4b: {  	_ =	shalt  }
0x4c: {  	_ =	shalt  }
0x4d: {  	_ =	shalt  }
0x4e: {  	_ =	shalt  }
0x4f: {  	_ =	shalt  }
0x50: {  	_ =	shalt  }
0x51: {  	_ =	shalt  }
0x52: {  	_ =	shalt  }
0x53: {  	_ =	shalt  }
0x54: {  	_ =	shalt  }
0x55: {  	_ =	shalt  }
0x56: {  	_ =	shalt  }
0x57: {  	_ =	shalt  }
0x58: {  	_ =	shalt  }
0x59: {  	_ =	shalt  }
0x5a: {  	_ =	shalt  }
0x5b: {  	_ =	shalt  }
0x5c: {  	_ =	shalt  }
0x5d: {  	_ =	shalt  }
0x5e: {  	_ =	shalt  }
0x5f: {  	_ =	shalt  }
0x60: {  	_ =	shalt  }
0x61: {  	_ =	shalt  }
0x62: {  	_ =	shalt  }
0x63: {  	_ =	shalt  }
0x64: {  	_ =	shalt  }
0x65: {  	_ =	shalt  }
0x66: {  	_ =	shalt  }
0x67: {  	_ =	shalt  }
0x68: {  	_ =	shalt  }
0x69: {  	_ =	shalt  }
0x6a: {  	_ =	shalt  }
0x6b: {  	_ =	shalt  }
0x6c: {  	_ =	shalt  }
0x6d: {  	_ =	shalt  }
0x6e: {  	_ =	shalt  }
0x6f: {  	_ =	shalt  }
0x70: {  	_ =	shalt  }
0x71: {  	_ =	shalt  }
0x72: {  	_ =	shalt  }
0x73: {  	_ =	shalt  }
0x74: {  	_ =	shalt  }
0x75: {  	_ =	shalt  }
0x76: {  	_ =	shalt  }
0x77: {  	_ =	shalt  }
0x78: {  	_ =	shalt  }
0x79: {  	_ =	shalt  }
0x7a: {  	_ =	shalt  }
0x7b: {  	_ =	shalt  }
0x7c: {  	_ =	shalt  }
0x7d: {  	_ =	shalt  }
0x7e: {  	_ =	shalt  }
0x7f: {  	_ =	shalt  }
0x80: {  	_ =	shalt  }
0x81: {  	_ =	shalt  }
0x82: {  	_ =	shalt  }
0x83: {  	_ =	shalt  }
0x84: {  	_ =	shalt  }
0x85: {  	_ =	shalt  }
0x86: {  	_ =	shalt  }
0x87: {  	_ =	shalt  }
.Lfunc_end0:
.L_simem_size_0:
called_computation_lowered:
.L_overlay_start_0:
0x88: {  	s2 =	sld [smem:$0x3FD9]  }
0x89: {  	s3 =	sld [smem:$0x3FFE];
	_ =	sdelay $0x1  }
0x8a: {  	s1 =	srdreg.scid  }
0x8b: {  	s0 =	sand.u32 $0x1, s1  }
0x8c: {  	s17 =	sshll.u32 s0, $0xA;
	s2 =	sadd.s32 s3, s2  }
0x8d: {  	s2 =	sadd.s32 s2, s17  }
0x8e: {  	[smem:$0x3FC4] =	sst s2  }
0x8f: {  	_ = 	snop  }
0x90: {  	s2 =	sld [smem:$0x3FC9]  }
0x91: {  	s18 =	sld [smem:$0x3FC8];
	(tm) =	ssettm $0x1  }
0x92: {  	s4 =	sld [smem:$0x3FFB];
	_ =	sdelay $0x3  }
0x93: {  	_ =	strace s4  }
0x94: {  	s4 =	sld [smem:$0x3FFC];
	_ =	sdelay $0x3  }
0x95: {  	_ =	strace s4  }
0x96: {  	s4 =	sld [smem:$0x3FFD];
	_ =	sdelay $0x3  }
0x97: {  	_ =	strace s4  }
0x98: {  	_ =	strace $0x8FFFFFFF  }
0x99: {  	s19 =	sld [smem:$0x3FDB];
	_ =	sdelay $0x1  }
0x9a: {  	s5 =	simm.s32 $_scs_section_size  }
0x9b: {  	s6 =	simm.s32 $_size__tile_overlayer_lowered;
	s7 =	simm.s32 $_tile_overlayer_lowered  }
0x9c: {  	s22 =	simm.s32 $0x1BFF;
	s21 =	sshll.u32 s7, $0x1;
	s4 =	sadd.s32 s5, s19  }
0x9d: {  	s8 =	simm.s32 $0x0;
	s20 =	sshll.u32 s6, $0x1;
	s6 =	sadd.s32 s21, s4  }
0x9e: {  	[timem:s8], [sflag:s22] =	dma.local [hbm:s6], s20  }
0x9f: {  	_ =	swait.ge [sflag:s22], s20  }
0xa0: {  	s5 =	ssub.s32 $0x0, s20;
	[sflag:s22] =	ssyncset.done $0x0  }
0xa1: {  	[sflag:s22] =	ssyncadd.s32 s5;
	_ =	sdelay $0x1  }
0xa2: {  	s23 =	simm.s32 $0x1B8B  }
0xa3: {  	_ =	swait.ge [sflag:s23], $0x1  }
0xa4: {  	[sflag:s23] =	ssyncset.done $0x0  }
0xa5: {  	s25 =	simm.s32 $0x1B8E;
	s24 =	sld [smem:$0x3FFE];
	[sflag:s23] =	ssyncadd.s32 $0xFFFFFFFF  }
0xa6: {  	s26 =	simm.s32 $execute0_lowered;
	[smem:$0x3FD2] =	sst s25  }
0xa7: {  	s6 =	sshll.u32 s26, $0x1;
	_ =	strace $0x80000046;
	[dreg:$0x1] =	wrdreg $0xFFFFFFFF  }
0xa8: {  	s28 =	simm.s32 $_size_execute0_lowered;
	s4 =	sadd.s32 s4, s6;
	[dreg:$0x0] =	wrdreg $0x0  }
0xa9: {  	s6 =	sshll.u32 s28, $0x1;
	[dreg:$0x2] =	wrdreg s4  }
0xaa: {  	[dreg:$0x3] =	wrdreg s6  }
0xab: {  	[dreg:$0x4] =	wrdreg $0xC0  }
0xac: {  	_ =	task [dreg:s8], $0x5FFFF  }
0xad: {  	[dreg:$0x1] =	wrdreg $0xFFFFFFFF  }
0xae: {  	[dreg:$0x0] =	wrdreg $0x60  }
0xaf: {  	[dreg:$0x2] =	wrdreg s2  }
0xb0: {  	[dreg:$0x3] =	wrdreg s18  }
0xb1: {  	[dreg:$0x4] =	wrdreg s24  }
0xb2: {  	[dreg:$0x5] =	wrdreg $0x9  }
0xb3: {  	_ =	task.clear_ibuf [dreg:s8], $0x6FFFF;
	_ =	strace $0x90000046  }
0xb4: {  	s29 =	simm.s32 $0x9;
	_ =	strace $0x80000048  }
0xb5: {  	_ =	swait.ge [sflag:s29], $0x1  }
0xb6: {  	[sflag:s29] =	ssyncadd.s32 $0xFFFFFFFF  }
0xb7: {  	_ =	strace $0x90000048  }
0xb8: {  	_ =	sfence  }
0xb9: {  	s30 =	sld [smem:$0x0];
	_ =	sdelay $0x2  }
0xba: {  	s31 =	sshll.u32 s1, $0xD;
	s1 =	sshrl.u32 s1, $0x2  }
0xbb: {  	s3 =	sand.u32 $0x4000, s31;
	s1 =	sadd.s32 s1, s30  }
0xbc: {  	s0 =	sor.u32 s3, s0;
	s1 =	sshll.u32 s1, $0x11  }
0xbd: {  	s0 =	sor.u32 s1, s0  }
0xbe: {  	s0 =	sadd.s32 $0x8F2B, s0  }
0xbf: {  	[sflag:s0] =	ssyncadd.remote.s32 $0x1  }
0xc0: {  	_ =	sfence.sel $0xFFFF  }
0xc1: {  	[dreg:$0x0] =	wrdreg $0xFFFFFFFF;
	(pc) =	sbr.abs _section_cstart, $3  }
0xc2: {  	[dreg:$0x1] =	wrdreg $0xFFFFFFFF  }
0xc3: {  	_ =	task.clear_ibuf [dreg:s8], $0x2FFFF;
	_ =	strace $0x9FFFFFFF  }
0xc4: {  	(tm) =	ssettm $0x7FFFFFFF  }
0xc5: {  	_ =	shalt  }
tec
execute0_lowered:
.L_overlay_start_1:
0x0: {  	(tag) =	ssettag $0x1  }
0x1: {  	s1 =	rddreg [dreg:$0x0]  }
0x2: {  	s4 =	rddreg [dreg:$0x1]  }
0x3: {  	s5 =	rddreg [dreg:$0x2];
	s3 =	simm.s32 $0x0;
	s6 =	srdreg.scid  }
0x4: {  	s0 =	stileid.u32;
	s13 =	simm.s32 $0x9C00;
	s14 =	simm.s32 $0x180  }
0x5: {  	s15 =	simm.s32 $0xDC00;
	s16 =	simm.s32 $0x1;
	s17 =	simm.s32 $0x8  }
0x6: {  	s18 =	simm.s32 $0x5;
	s19 =	simm.s32 $0x6;
	s20 =	simm.s32 $0x0  }
0x7: {  	s6 =	sand.u32 $0x1, s6;
	s7 =	sshll.u32 s0, $0x1;
	s8 =	smul.u32 $0x190000, s0  }
0x8: {  	[smem:$0x7FF] =	sst s3;
	s7 =	sor.u32 s6, s7;
	s9 =	smul.u32 $0xC8000, s6  }
0x9: {  	s10 =	sadd.s32 $0x800, s5;
	s29 =	ssub.s32 $0x2, s6;
	s30 =	smul.u32 $0x380, s7  }
0xa: {  	_ =	strace $0x80000047;
	s11 =	sshrl.u32 s29, $0x1;
	s7 =	smul.u32 $0xC8000, s7  }
0xb: {  	s8 =	sadd.s32 s9, s8;
	s5 =	ssub.s32 s29, s11;
	s9 =	simm.s32 $0x80  }
0xc: {  	s4 =	sadd.s32 s4, s30;
	s31 =	sor.u32 $0x4000, s8;
	s7 =	sshrl.u32 s7, $0x3  }
0xd: {  	s5 =	smax.u32 s5, $0x1;
	s8 =	sshrl.u32 s31, $0x3;
	s6 =	sadd.s32 s10, s7  }
0xe: {  	s7 =	sadd.s32 s8, s10;
	s8 =	simm.s32 $0x9;
	s10 =	simm.s32 $0x1C00  }
.LBB2_1:
0xf: {  	[tilespmem:s3], [sflag:$0x9] =	stream.linear.gather [hbm4b:s4+s3], $0x1C00, $0x38;
	[tilespmem:$0x11C00] =	vst v63  }
0x10: {  	_ =	swait.ge [sflag:s8], $0x1C00  }
0x11: {  	[sflag:s8] =	ssyncset.done $0x0  }
0x12: {  	[sflag:s8] =	ssyncadd.s32 $0xFFFFE400  }
0x13: {  	[tilespmem:s10], [sflag:$0x1] =	stream.indirect.gather [hbm4b:s1+s9], $0x80, s3, s9, $0xb8;
	[tilespmem:$0x11C00] =	vst v63  }
0x14: {  	s0 =	simm.s32 $0x5C00  }
0x15: {  	[tilespmem:s0], [sflag:$0x2] =	stream.indirect.gather [hbm4b:s1+s9], $0x80, s9, s9, $0xb8;
	[tilespmem:$0x11C00] =	vst v63  }
0x16: {  	s26 =	simm.s32 $0x100;
	s21 =	simm.s32 $0x4;
	s22 =	simm.s32 $0x200  }
0x17: {  	[tilespmem:s13], [sflag:$0x3] =	stream.indirect.gather [hbm4b:s1+s9], $0x80, s26, s9, $0xb8;
	[tilespmem:$0x11C00] =	vst v63  }
0x18: {  	s23 =	simm.s32 $0x1;
	p0 =	por $0x0, $0x0;
	s25 =	simm.s32 $0x5  }
0x19: {  	[tilespmem:s15], [sflag:$0x4] =	stream.indirect.gather [hbm4b:s1+s9], $0x80, s14, s9, $0xb8;
	[tilespmem:$0x11C00] =	vst v63  }
0x1a: {  	s29 =	sand.u32 $0x3, s23;
	s24 =	sand.u32 @!p0 $0x3, s21;
	_ =	swait.ge [sflag:s16], $0x4000  }
0x1b: {  	s23 =	simm.s32 $0x2;
	s30 =	sshll.u32 s29, $0xE;
	[sflag:s16] =	ssyncset.done $0x0  }
0x1c: {  	s21 =	sand.u32 $0x3, s23;
	s26 =	sadd.s32 @!p0 $0x5, s24;
	[sflag:s16] =	ssyncadd.s32 $0xFFFFC000  }
0x1d: {  	[hbm4b:s6+s3] =	stream.linear.scatter [tilespmem:s10], [sflag:$0x5], $0x4000, $0x38;
	[tilespmem:$0x11C00] =	vst v63  }
0x1e: {  	s28 =	sshll.u32 @!p0 s24, $0xE;
	s31 =	sadd.s32 $0x1, s29;
	_ =	swait.ge @!p0 [sflag:s26], $0x4000  }
0x1f: {  	s28 =	sor.u32 @!p0 $0x1C00, s28;
	s30 =	sor.u32 $0x1C00, s30;
	[sflag:s26] =	ssyncset.done @!p0 $0x0  }
0x20: {  	s24 =	sadd.s32 @!p0 $0x1, s24;
	[sflag:s26] =	ssyncadd.s32 @!p0 $0xFFFFC000;
	s26 =	simm.s32 @!p0 $0x80  }
0x21: {  	[tilespmem:s28], [sflag:s24] =	stream.indirect.gather @!p0 [hbm4b:s1+s26], $0x80, s22, s26, $0xb8;
	[tilespmem:$0x11C00] =	vst v63  }
0x22: {  	s28 =	simm.s32 $0x6;
	s26 =	sshll.u32 s21, $0xE;
	_ =	swait.ge [sflag:s31], $0x4000  }
0x23: {  	s22 =	sadd.s32 $0x800, s7;
	s24 =	simm.s32 $0x280;
	[sflag:s31] =	ssyncset.done $0x0  }
0x24: {  	[sflag:s31] =	ssyncadd.s32 $0xFFFFC000;
	s31 =	sadd.s32 $0x5, s29;
	s29 =	smov.u32 s7  }
.LBB2_2:
0x25: {  	[hbm4b:s29+s3] =	stream.linear.scatter [tilespmem:s30], [sflag:s31], $0x4000, $0x38;
	[tilespmem:$0x11C00] =	vst v63  }
0x26: {  	s29 =	smov.u32 s28;
	s31 =	smov.u32 s21;
	s30 =	smov.u32 s26  }
0x27: {  	s28 =	sadd.s32 $0x1, s28;
	p1 =	sgt.u32 s23, $0x2E;
	s23 =	sadd.s32 $0xFFFFFFFD, s29  }
0x28: {  	p0 =	sne.s32 s28, $0x35;
	s25 =	sand.u32 @!p1 $0x3, s25;
	s21 =	sand.u32 $0x3, s23  }
0x29: {  	s0 =	sadd.s32 @!p1 $0x5, s25;
	s2 =	sshll.u32 @!p1 s25, $0xE;
	s11 =	sadd.s32 @!p1 $0x1, s25  }
0x2a: {  	s26 =	sshll.u32 s21, $0xE;
	s2 =	sor.u32 @!p1 $0x1C00, s2;
	_ =	swait.ge @!p1 [sflag:s0], $0x4000  }
0x2b: {  	s12 =	sadd.s32 $0x1, s31;
	s25 =	smov.u32 s29;
	[sflag:s0] =	ssyncset.done @!p1 $0x0  }
.Ltmp0:
0x2c: {  	[sflag:s0] =	ssyncadd.s32 @!p1 $0xFFFFC000;
	s0 =	simm.s32 @!p1 $0x80;
	(pc) =	sbr.rel @p0 .LBB2_2-.Ltmp0, $4  }
0x2d: {  	[tilespmem:s2], [sflag:s11] =	stream.indirect.gather @!p1 [hbm4b:s1+s0], $0x80, s24, s0, $0xb8;
	[tilespmem:$0x11C00] =	vst v63  }
0x2e: {  	s29 =	smov.u32 s22;
	_ =	swait.ge [sflag:s12], $0x4000  }
0x2f: {  	s22 =	sadd.s32 $0x800, s22;
	s24 =	sadd.s32 $0x80, s24;
	[sflag:s12] =	ssyncset.done $0x0  }
0x30: {  	s30 =	sor.u32 $0x1C00, s30;
	s31 =	sadd.s32 $0x5, s31;
	[sflag:s12] =	ssyncadd.s32 $0xFFFFC000  }
0x31: {  	[hbm4b:s29+s3] =	stream.linear.scatter [tilespmem:s30], [sflag:s31], $0x4000, $0x38;
	[tilespmem:$0x11C00] =	vst v63  }
0x32: {  	p0 =	sgt.u32 s23, $0x2E  }
0x33: {  	s0 =	sand.u32 @!p0 $0x3, s25  }
0x34: {  	s2 =	sadd.s32 @!p0 $0x5, s0  }
0x35: {  	s12 =	sadd.s32 $0x1, s21;
	_ =	swait.ge @!p0 [sflag:s2], $0x4000  }
0x36: {  	s11 =	sshll.u32 @!p0 s0, $0xE;
	s0 =	sadd.s32 @!p0 $0x1, s0;
	[sflag:s2] =	ssyncset.done @!p0 $0x0  }
0x37: {  	s11 =	sor.u32 @!p0 $0x1C00, s11;
	[sflag:s2] =	ssyncadd.s32 @!p0 $0xFFFFC000;
	s2 =	simm.s32 @!p0 $0x80  }
0x38: {  	[tilespmem:s11], [sflag:s0] =	stream.indirect.gather @!p0 [hbm4b:s1+s2], $0x80, s24, s2, $0xb8;
	[tilespmem:$0x11C00] =	vst v63  }
0x39: {  	_ =	swait.ge [sflag:s12], $0x4000  }
0x3a: {  	[sflag:s12] =	ssyncset.done $0x0  }
0x3b: {  	s30 =	sor.u32 $0x1C00, s26;
	s31 =	sadd.s32 $0x5, s21;
	[sflag:s12] =	ssyncadd.s32 $0xFFFFC000  }
0x3c: {  	[hbm4b:s22+s3] =	stream.linear.scatter [tilespmem:s30], [sflag:s31], $0x4000, $0x38;
	[tilespmem:$0x11C00] =	vst v63  }
0x3d: {  	_ =	swait.ge [sflag:s17], $0x4000  }
0x3e: {  	[sflag:s17] =	ssyncset.done $0x0  }
0x3f: {  	s20 =	sadd.s32 $0x1, s20;
	[sflag:s17] =	ssyncadd.s32 $0xFFFFC000  }
0x40: {  	p0 =	sne.s32 s20, s5;
	_ =	swait.ge [sflag:s18], $0x4000  }
.Ltmp1:
0x41: {  	[sflag:s18] =	ssyncset.done $0x0;
	(pc) =	sbr.rel @p0 .LBB2_1-.Ltmp1, $4  }
0x42: {  	[sflag:s18] =	ssyncadd.s32 $0xFFFFC000  }
0x43: {  	_ =	swait.ge [sflag:s19], $0x4000  }
0x44: {  	[sflag:s19] =	ssyncset.done $0x0  }
0x45: {  	[sflag:s19] =	ssyncadd.s32 $0xFFFFC000  }
0x46: {  	_ =	sfence.sel $0x180000  }
0x47: {  	[bflag:$0x0] =	sbarrier.arrive $0xFFFF  }
0x48: {  	_ =	strace $0x90000047  }
0x49: {  	s0 =	stileid.u32;
	[bflag:$0x2] =	sbarrier.arrive $0xFFFF  }
0x4a: {  	p0 =	sne.s32 s0, $0x0;
	s0 =	rddreg [dreg:$0x3]  }
0x4b: {  	s0 =	sadd.s32 @!p0 $0x100000, s0  }
0x4c: {  	[sflag:s0] =	ssyncadd.tile.s32 @!p0 $0x1;
	_ =	shalt  }
.Lfunc_end2:
_tile_overlayer_lowered:
.L_overlay_start_2:
0x4d: {  	(tag) =	ssettag $0x2  }
0x4e: {  	s0 =	rddreg [dreg:$0x0];
	s2 =	stileid.u32  }
0x4f: {  	s1 =	rddreg [dreg:$0x1];
	p0 =	sne.s32 s2, $0x0  }
0x50: {  	s3 =	rddreg [dreg:$0x2];
	[bflag:$0x3] =	sbarrier.arrive $0xFFFF;
	s2 =	simm.s32 @!p0 $0x1C09  }
0x51: {  	[timem:s3], [sflag:s2] =	dma.local @!p0 [hbm:s0], s1  }
0x52: {  	s0 =	simm.s32 @!p0 $0x9  }
0x53: {  	_ =	swait.ge @!p0 [sflag:s0], s1  }
0x54: {  	s1 =	ssub.s32 @!p0 $0x0, s1;
	[sflag:s0] =	ssyncset.done @!p0 $0x0  }
0x55: {  	[sflag:s0] =	ssyncadd.s32 @!p0 s1  }
0x56: {  	[bflag:$0x3] =	sbarrier.arrive $0xFFFF  }
0x57: {  	_ =	shalt  }

</sc_bundles>
